<compile_context>
chip_gen: v7x
topology: tpu7x:2x2x1
jax: 0.10.2.dev20260603
libtpu: 0.0.44.dev20260713+nightly
codegen_flags: <defaults>
</compile_context>

<pallas_src>
import math

import jax
import jax.numpy as jnp
from jax import lax
from jax.experimental import pallas as pl
from jax.experimental.pallas import tpu as pltpu
from jax.experimental.pallas import tpu_sc as plsc

_BATCH = 512
_SEQ = 1024
_EMB = 128
_HALF = _EMB // 2

_NC = 2
_NS = 16
_NW = _NC * _NS
_RPW = _BATCH // _NW
_LANES = 16


def _chase_body(sol_hbm, vt_hbm, sol_v, vt_v):
    wid = lax.axis_index("s") * _NC + lax.axis_index("c")
    base = wid * _RPW
    pltpu.sync_copy(sol_hbm.at[pl.ds(base, _RPW)], sol_v)

    lanes = lax.iota(jnp.int32, _LANES)
    zeros = jnp.zeros_like(lanes)

    def _zero(j, carry):
        for r in range(_RPW):
            vt_v[r, pl.ds(j * _LANES, _LANES)] = zeros
        return carry

    lax.fori_loop(0, _SEQ // _LANES, _zero, 0, unroll=False)

    def _step(i, pre):
        cur = plsc.load_gather(sol_v, [lanes, pre])
        plsc.store_scatter(vt_v, [lanes, cur], jnp.broadcast_to(i + 1, (_LANES,)))
        return cur

    lax.fori_loop(0, _SEQ + 2, _step, zeros, unroll=False)
    pltpu.sync_copy(vt_v, vt_hbm.at[pl.ds(base, _RPW)])


def _make_chase():
    mesh = plsc.VectorSubcoreMesh(
        core_axis_name="c", subcore_axis_name="s", num_cores=_NC, num_subcores=_NS
    )
    return pl.kernel(
        _chase_body,
        out_type=jax.ShapeDtypeStruct((_BATCH, _SEQ), jnp.int32),
        mesh=mesh,
        scratch_types=[
            pltpu.VMEM((_RPW, _SEQ), jnp.int32),
            pltpu.VMEM((_RPW, _SEQ), jnp.int32),
        ],
        compiler_params=pltpu.CompilerParams(
            use_tc_tiling_on_sc=False, needs_layout_passes=False
        ),
    )


_BB = 8
_BS = 128

_PIO2_HI = 1.5707855224609375
_PIO2_REST = 1.0804333896827965e-05
_2OPI = 0.6366197723675814
_S1, _S2, _S3 = -1.6666654611e-1, 8.3321608736e-3, -1.9515295891e-4
_C2, _C3, _C4 = 4.166664568298827e-2, -1.388731625493765e-3, 2.443315711809948e-5


def _sincos(phase):
    q = jnp.floor(phase * _2OPI + 0.5)
    r = (phase - q * _PIO2_HI) - q * _PIO2_REST
    r2 = r * r
    s = r + r * r2 * (_S1 + r2 * (_S2 + r2 * _S3))
    c = 1.0 + r2 * (-0.5 + r2 * (_C2 + r2 * (_C3 + r2 * _C4)))
    k = q.astype(jnp.int32) & 3
    k1 = k == 1
    k2 = k == 2
    k3 = k == 3
    cosv = jnp.where(k1, -s, jnp.where(k2, -c, jnp.where(k3, s, c)))
    sinv = jnp.where(k1, c, jnp.where(k2, -s, jnp.where(k3, -c, s)))
    return cosv, sinv


def _dense_body(x0_ref, x1_ref, vt_ref, c_ref, f_ref, emb_ref, re_ref, im_ref):
    x0 = x0_ref[...]
    x1 = x1_ref[...]
    w0 = c_ref[0, :]
    w1 = c_ref[1, :]
    emb_ref[...] = (
        x0[:, :, None] * w0[None, None, :] + x1[:, :, None] * w1[None, None, :]
    )
    tr = c_ref[2, 0]
    t2 = jnp.mod(vt_ref[...].astype(jnp.float32), tr)
    f3 = f_ref[...][None, :, :]
    phase = jnp.broadcast_to(t2[:, None, :], (_BB, _HALF, _BS)) * f3
    cosv, sinv = _sincos(phase)
    re_ref[...] = cosv
    im_ref[...] = sinv


def _dense(x0, x1, vt, consts, fmat):
    grid = (_SEQ // _BS, _BATCH // _BB)
    return pl.pallas_call(
        _dense_body,
        grid=grid,
        in_specs=[
            pl.BlockSpec((_BB, _BS), lambda j, i: (i, j)),
            pl.BlockSpec((_BB, _BS), lambda j, i: (i, j)),
            pl.BlockSpec((_BB, _BS), lambda j, i: (i, j)),
            pl.BlockSpec((8, _EMB), lambda j, i: (0, 0)),
            pl.BlockSpec((_HALF, _BS), lambda j, i: (0, j)),
        ],
        out_specs=[
            pl.BlockSpec((_BB, _BS, _EMB), lambda j, i: (i, j, 0)),
            pl.BlockSpec((_BB, _HALF, _BS), lambda j, i: (i, 0, j)),
            pl.BlockSpec((_BB, _HALF, _BS), lambda j, i: (i, 0, j)),
        ],
        out_shape=[
            jax.ShapeDtypeStruct((_BATCH, _SEQ, _EMB), jnp.float32),
            jax.ShapeDtypeStruct((_BATCH, _HALF, _SEQ), jnp.float32),
            jax.ShapeDtypeStruct((_BATCH, _HALF, _SEQ), jnp.float32),
        ],
        compiler_params=pltpu.CompilerParams(
            dimension_semantics=("parallel", "parallel"),
        ),
    )(x0, x1, vt, consts, fmat)


def kernel(x, solutions, step_info, W):
    dim = W.shape[0]
    visited_time = _make_chase()(solutions)

    x0 = x[:, :, 0]
    x1 = x[:, :, 1]

    freqs = 1.0 / (
        10000.0
        ** (jnp.arange(0, dim, 2, dtype=jnp.int32)[: dim // 2].astype(jnp.float32) / dim)
    )
    traced = (_SEQ - step_info[0] + 2 * step_info[1]).astype(jnp.float32)
    trv = jnp.broadcast_to(traced, (_EMB,))
    pad = jnp.zeros((5, _EMB), jnp.float32)
    consts = jnp.concatenate(
        [W[:, 0][None, :], W[:, 1][None, :], trv[None, :], pad], axis=0
    )
    fmat = jnp.broadcast_to(freqs[:, None], (_HALF, _SEQ))

    x_embedding, re3, im3 = _dense(x0, x1, visited_time, consts, fmat)
    freqs_cis = lax.complex(re3.transpose(0, 2, 1), im3.transpose(0, 2, 1))
    return (x_embedding, freqs_cis, visited_time)

# --- scband reference (transcript-rebuilt; emitter-appended) ---
"""Pipeline reference for scband-embedding-net-68118181314966 (READ-ONLY COPY).

The authoritative reference and input builder live on the scoring server;
editing this copy changes nothing except your own understanding.
"""

import jax, jax.numpy as jnp
import numpy as np
import math

BATCH = 512
SEQ = 1024
NODE_DIM = 2
EMB = 128

def setup_inputs(seed: int = 0):
    key = jax.random.key(seed)
    k1, k2, k3 = jax.random.split(key, 3)
    x = jax.random.normal(k1, (BATCH, SEQ, NODE_DIM), dtype=jnp.float32)
    solutions = jax.random.randint(k2, (BATCH, SEQ), 0, SEQ, dtype=jnp.int32)
    step_info = jnp.arange(2, dtype=jnp.int32)  # dy_size=0, dy_t=1
    stdv = 1.0 / math.sqrt(NODE_DIM)
    W = jax.random.uniform(k3, (EMB, NODE_DIM), dtype=jnp.float32, minval=-stdv, maxval=stdv)
    return {"x": x, "solutions": solutions, "step_info": step_info, "W": W}

def get_visited_time(solutions, dy_size, dy_t):
    batch, seq_length = solutions.shape
    valid_seq_length = seq_length + 2
    ar = jnp.arange(batch)
    def body(carry, i):
        pre, visited_time = carry
        current = solutions[ar, pre]
        visited_time = visited_time.at[ar, current].set((i + 1).astype(jnp.float32))
        return (current, visited_time), None
    pre0 = jnp.zeros((batch,), dtype=jnp.int32)
    vt0 = jnp.zeros((batch, seq_length), dtype=jnp.float32)
    (pre, visited_time), _ = jax.lax.scan(body, (pre0, vt0), jnp.arange(valid_seq_length))
    traced_valid_seq_length = (seq_length - dy_size + 2 * dy_t).astype(jnp.float32)
    index = (visited_time % traced_valid_seq_length).astype(jnp.int32)
    return index, visited_time.astype(jnp.int32)

def precompute_freqs_cis(dim, index, theta=10000.0):
    t = index.astype(jnp.float32)
    freqs = 1.0 / (theta ** (jnp.arange(0, dim, 2)[: dim // 2].astype(jnp.float32) / dim))
    # t.unsqueeze(2) @ freqs.unsqueeze(1) == broadcast outer product [B,S,1]*[1,1,dim//2]
    f = t[:, :, None] * freqs[None, None, :]
    # torch.polar(ones, f) == cos(f) + i*sin(f)
    return jnp.cos(f) + 1j * jnp.sin(f)

def reference(x, solutions, step_info, W):
    dy_size = step_info[0]
    dy_t = step_info[1]
    index_for_freqs, visited_time = get_visited_time(solutions, dy_size, dy_t)
    freqs_cis = precompute_freqs_cis(W.shape[0], index_for_freqs)
    x_embedding = x @ W.T
    return (x_embedding, freqs_cis, visited_time)

if __name__ == "__main__":
    import jax
    _d = setup_inputs()
    print(jax.jit(kernel)(*tuple(_d.values())))

</pallas_src>

<mosaic_0001>
#map = affine_map<(d0, d1) -> (0, 0)>
module attributes {stable_mosaic.version = 14 : i64} {
  func.func @_chase_body(%arg0: i32, %arg1: i32, %arg2: memref<512x1024xi32, #tpu.memory_space<hbm>>, %arg3: memref<512x1024xi32, #tpu.memory_space<hbm>>, %arg4: memref<16x1024xi32, #tpu.memory_space<vmem>>, %arg5: memref<16x1024xi32, #tpu.memory_space<vmem>>) attributes {dimension_semantics = [#tpu.dimension_semantics<core_parallel>, #tpu.dimension_semantics<subcore_parallel>], iteration_bounds = array<i64: 2, 16>, scalar_prefetch = 0 : i64, scratch_operands = 2 : i64, tpu.core_type = #tpu.core_type<sc_vector_subcore>, window_params = [{transform_indices = #map}, {transform_indices = #map}]} {
    %mul3A = arith.constant 2 : i32
    %mul3A_0 = arith.muli %arg1, %mul3A : i32
    %add3A = arith.addi %mul3A_0, %arg0 : i32
    %mul3A_1 = arith.constant 16 : i32
    %mul3A_2 = arith.muli %add3A, %mul3A_1 : i32
    "tpu.region"() ({
      %run_scoped3A = tpu.sem_alloc : memref<!tpu.dma_semaphore, #tpu.memory_space<semaphore_mem>>
      %dma_start3A = arith.constant 0 : i32
      %dma_start3A_15 = tpu.memref_slice %arg2[%mul3A_2, %dma_start3A] : memref<512x1024xi32, #tpu.memory_space<hbm>> -> memref<16x1024xi32, #tpu.memory_space<hbm>>
      %dma_start3A_16 = arith.constant 0 : i32
      %dma_start3A_17 = tpu.memref_slice %arg2[%mul3A_2, %dma_start3A_16] : memref<512x1024xi32, #tpu.memory_space<hbm>> -> memref<16x1024xi32, #tpu.memory_space<hbm>>
      tpu.enqueue_dma source(%dma_start3A_17 : memref<16x1024xi32, #tpu.memory_space<hbm>>) target(%arg4 : memref<16x1024xi32, #tpu.memory_space<vmem>>) target_semaphore(%run_scoped3A : memref<!tpu.dma_semaphore, #tpu.memory_space<semaphore_mem>>)
      %dma_wait3A = arith.constant 0 : i32
      %dma_wait3A_18 = tpu.memref_slice %arg2[%mul3A_2, %dma_wait3A] : memref<512x1024xi32, #tpu.memory_space<hbm>> -> memref<16x1024xi32, #tpu.memory_space<hbm>>
      %dma_wait3A_19 = arith.constant 0 : i32
      %dma_wait3A_20 = tpu.memref_slice %arg2[%mul3A_2, %dma_wait3A_19] : memref<512x1024xi32, #tpu.memory_space<hbm>> -> memref<16x1024xi32, #tpu.memory_space<hbm>>
      tpu.wait_dma2 semaphore(%run_scoped3A : memref<!tpu.dma_semaphore, #tpu.memory_space<semaphore_mem>>) src(%dma_wait3A_20 : memref<16x1024xi32, #tpu.memory_space<hbm>>) dst(%arg4 : memref<16x1024xi32, #tpu.memory_space<vmem>>)
      tpu.yield
    }) : () -> ()
    %iota3A = tpu.iota {dimensions = array<i32: 0>} : vector<16xi32>
    %broadcast_in_dim3A = arith.constant 0 : i32
    %broadcast_in_dim3A_3 = vector.broadcast %broadcast_in_dim3A : i32 to vector<16xi32>
    %scan3A = arith.constant 0 : i32
    %scan3A_4 = arith.constant 0 : i32
    %scan3A_5 = arith.constant 64 : i32
    %scan3A_6 = arith.addi %scan3A_4, %scan3A_5 : i32
    %scan3A_7 = arith.constant 1 : i32
    scf.for %scan3A_15 = %scan3A_4 to %scan3A_6 step %scan3A_7  : i32 {
      %mul3A_16 = arith.constant 16 : i32
      %mul3A_17 = arith.muli %scan3A_15, %mul3A_16 : i32
      %swap3A = arith.constant 0 : i32
      %swap3A_18 = arith.index_cast %swap3A : i32 to index
      %swap3A_19 = arith.index_cast %mul3A_17 : i32 to index
      %swap3A_20 = tpu.vector_load %arg5[%swap3A_18, %swap3A_19] {strides = array<i32>} : memref<16x1024xi32, #tpu.memory_space<vmem>>, vector<16xi32>,
      tpu.vector_store %arg5[%swap3A_18, %swap3A_19], %broadcast_in_dim3A_3 {strides = array<i32>} : memref<16x1024xi32, #tpu.memory_space<vmem>>, vector<16xi32>,
      %mul3A_21 = arith.constant 16 : i32
      %mul3A_22 = arith.muli %scan3A_15, %mul3A_21 : i32
      %swap3A_23 = arith.constant 1 : i32
      %swap3A_24 = arith.index_cast %swap3A_23 : i32 to index
      %swap3A_25 = arith.index_cast %mul3A_22 : i32 to index
      %swap3A_26 = tpu.vector_load %arg5[%swap3A_24, %swap3A_25] {strides = array<i32>} : memref<16x1024xi32, #tpu.memory_space<vmem>>, vector<16xi32>,
      tpu.vector_store %arg5[%swap3A_24, %swap3A_25], %broadcast_in_dim3A_3 {strides = array<i32>} : memref<16x1024xi32, #tpu.memory_space<vmem>>, vector<16xi32>,
      %mul3A_27 = arith.constant 16 : i32
      %mul3A_28 = arith.muli %scan3A_15, %mul3A_27 : i32
      %swap3A_29 = arith.constant 2 : i32
      %swap3A_30 = arith.index_cast %swap3A_29 : i32 to index
      %swap3A_31 = arith.index_cast %mul3A_28 : i32 to index
      %swap3A_32 = tpu.vector_load %arg5[%swap3A_30, %swap3A_31] {strides = array<i32>} : memref<16x1024xi32, #tpu.memory_space<vmem>>, vector<16xi32>,
      tpu.vector_store %arg5[%swap3A_30, %swap3A_31], %broadcast_in_dim3A_3 {strides = array<i32>} : memref<16x1024xi32, #tpu.memory_space<vmem>>, vector<16xi32>,
      %mul3A_33 = arith.constant 16 : i32
      %mul3A_34 = arith.muli %scan3A_15, %mul3A_33 : i32
      %swap3A_35 = arith.constant 3 : i32
      %swap3A_36 = arith.index_cast %swap3A_35 : i32 to index
      %swap3A_37 = arith.index_cast %mul3A_34 : i32 to index
      %swap3A_38 = tpu.vector_load %arg5[%swap3A_36, %swap3A_37] {strides = array<i32>} : memref<16x1024xi32, #tpu.memory_space<vmem>>, vector<16xi32>,
      tpu.vector_store %arg5[%swap3A_36, %swap3A_37], %broadcast_in_dim3A_3 {strides = array<i32>} : memref<16x1024xi32, #tpu.memory_space<vmem>>, vector<16xi32>,
      %mul3A_39 = arith.constant 16 : i32
      %mul3A_40 = arith.muli %scan3A_15, %mul3A_39 : i32
      %swap3A_41 = arith.constant 4 : i32
      %swap3A_42 = arith.index_cast %swap3A_41 : i32 to index
      %swap3A_43 = arith.index_cast %mul3A_40 : i32 to index
      %swap3A_44 = tpu.vector_load %arg5[%swap3A_42, %swap3A_43] {strides = array<i32>} : memref<16x1024xi32, #tpu.memory_space<vmem>>, vector<16xi32>,
      tpu.vector_store %arg5[%swap3A_42, %swap3A_43], %broadcast_in_dim3A_3 {strides = array<i32>} : memref<16x1024xi32, #tpu.memory_space<vmem>>, vector<16xi32>,
      %mul3A_45 = arith.constant 16 : i32
      %mul3A_46 = arith.muli %scan3A_15, %mul3A_45 : i32
      %swap3A_47 = arith.constant 5 : i32
      %swap3A_48 = arith.index_cast %swap3A_47 : i32 to index
      %swap3A_49 = arith.index_cast %mul3A_46 : i32 to index
      %swap3A_50 = tpu.vector_load %arg5[%swap3A_48, %swap3A_49] {strides = array<i32>} : memref<16x1024xi32, #tpu.memory_space<vmem>>, vector<16xi32>,
      tpu.vector_store %arg5[%swap3A_48, %swap3A_49], %broadcast_in_dim3A_3 {strides = array<i32>} : memref<16x1024xi32, #tpu.memory_space<vmem>>, vector<16xi32>,
      %mul3A_51 = arith.constant 16 : i32
      %mul3A_52 = arith.muli %scan3A_15, %mul3A_51 : i32
      %swap3A_53 = arith.constant 6 : i32
      %swap3A_54 = arith.index_cast %swap3A_53 : i32 to index
      %swap3A_55 = arith.index_cast %mul3A_52 : i32 to index
      %swap3A_56 = tpu.vector_load %arg5[%swap3A_54, %swap3A_55] {strides = array<i32>} : memref<16x1024xi32, #tpu.memory_space<vmem>>, vector<16xi32>,
      tpu.vector_store %arg5[%swap3A_54, %swap3A_55], %broadcast_in_dim3A_3 {strides = array<i32>} : memref<16x1024xi32, #tpu.memory_space<vmem>>, vector<16xi32>,
      %mul3A_57 = arith.constant 16 : i32
      %mul3A_58 = arith.muli %scan3A_15, %mul3A_57 : i32
      %swap3A_59 = arith.constant 7 : i32
      %swap3A_60 = arith.index_cast %swap3A_59 : i32 to index
      %swap3A_61 = arith.index_cast %mul3A_58 : i32 to index
      %swap3A_62 = tpu.vector_load %arg5[%swap3A_60, %swap3A_61] {strides = array<i32>} : memref<16x1024xi32, #tpu.memory_space<vmem>>, vector<16xi32>,
      tpu.vector_store %arg5[%swap3A_60, %swap3A_61], %broadcast_in_dim3A_3 {strides = array<i32>} : memref<16x1024xi32, #tpu.memory_space<vmem>>, vector<16xi32>,
      %mul3A_63 = arith.constant 16 : i32
      %mul3A_64 = arith.muli %scan3A_15, %mul3A_63 : i32
      %swap3A_65 = arith.constant 8 : i32
      %swap3A_66 = arith.index_cast %swap3A_65 : i32 to index
      %swap3A_67 = arith.index_cast %mul3A_64 : i32 to index
      %swap3A_68 = tpu.vector_load %arg5[%swap3A_66, %swap3A_67] {strides = array<i32>} : memref<16x1024xi32, #tpu.memory_space<vmem>>, vector<16xi32>,
      tpu.vector_store %arg5[%swap3A_66, %swap3A_67], %broadcast_in_dim3A_3 {strides = array<i32>} : memref<16x1024xi32, #tpu.memory_space<vmem>>, vector<16xi32>,
      %mul3A_69 = arith.constant 16 : i32
      %mul3A_70 = arith.muli %scan3A_15, %mul3A_69 : i32
      %swap3A_71 = arith.constant 9 : i32
      %swap3A_72 = arith.index_cast %swap3A_71 : i32 to index
      %swap3A_73 = arith.index_cast %mul3A_70 : i32 to index
      %swap3A_74 = tpu.vector_load %arg5[%swap3A_72, %swap3A_73] {strides = array<i32>} : memref<16x1024xi32, #tpu.memory_space<vmem>>, vector<16xi32>,
      tpu.vector_store %arg5[%swap3A_72, %swap3A_73], %broadcast_in_dim3A_3 {strides = array<i32>} : memref<16x1024xi32, #tpu.memory_space<vmem>>, vector<16xi32>,
      %mul3A_75 = arith.constant 16 : i32
      %mul3A_76 = arith.muli %scan3A_15, %mul3A_75 : i32
      %swap3A_77 = arith.constant 10 : i32
      %swap3A_78 = arith.index_cast %swap3A_77 : i32 to index
      %swap3A_79 = arith.index_cast %mul3A_76 : i32 to index
      %swap3A_80 = tpu.vector_load %arg5[%swap3A_78, %swap3A_79] {strides = array<i32>} : memref<16x1024xi32, #tpu.memory_space<vmem>>, vector<16xi32>,
      tpu.vector_store %arg5[%swap3A_78, %swap3A_79], %broadcast_in_dim3A_3 {strides = array<i32>} : memref<16x1024xi32, #tpu.memory_space<vmem>>, vector<16xi32>,
      %mul3A_81 = arith.constant 16 : i32
      %mul3A_82 = arith.muli %scan3A_15, %mul3A_81 : i32
      %swap3A_83 = arith.constant 11 : i32
      %swap3A_84 = arith.index_cast %swap3A_83 : i32 to index
      %swap3A_85 = arith.index_cast %mul3A_82 : i32 to index
      %swap3A_86 = tpu.vector_load %arg5[%swap3A_84, %swap3A_85] {strides = array<i32>} : memref<16x1024xi32, #tpu.memory_space<vmem>>, vector<16xi32>,
      tpu.vector_store %arg5[%swap3A_84, %swap3A_85], %broadcast_in_dim3A_3 {strides = array<i32>} : memref<16x1024xi32, #tpu.memory_space<vmem>>, vector<16xi32>,
      %mul3A_87 = arith.constant 16 : i32
      %mul3A_88 = arith.muli %scan3A_15, %mul3A_87 : i32
      %swap3A_89 = arith.constant 12 : i32
      %swap3A_90 = arith.index_cast %swap3A_89 : i32 to index
      %swap3A_91 = arith.index_cast %mul3A_88 : i32 to index
      %swap3A_92 = tpu.vector_load %arg5[%swap3A_90, %swap3A_91] {strides = array<i32>} : memref<16x1024xi32, #tpu.memory_space<vmem>>, vector<16xi32>,
      tpu.vector_store %arg5[%swap3A_90, %swap3A_91], %broadcast_in_dim3A_3 {strides = array<i32>} : memref<16x1024xi32, #tpu.memory_space<vmem>>, vector<16xi32>,
      %mul3A_93 = arith.constant 16 : i32
      %mul3A_94 = arith.muli %scan3A_15, %mul3A_93 : i32
      %swap3A_95 = arith.constant 13 : i32
      %swap3A_96 = arith.index_cast %swap3A_95 : i32 to index
      %swap3A_97 = arith.index_cast %mul3A_94 : i32 to index
      %swap3A_98 = tpu.vector_load %arg5[%swap3A_96, %swap3A_97] {strides = array<i32>} : memref<16x1024xi32, #tpu.memory_space<vmem>>, vector<16xi32>,
      tpu.vector_store %arg5[%swap3A_96, %swap3A_97], %broadcast_in_dim3A_3 {strides = array<i32>} : memref<16x1024xi32, #tpu.memory_space<vmem>>, vector<16xi32>,
      %mul3A_99 = arith.constant 16 : i32
      %mul3A_100 = arith.muli %scan3A_15, %mul3A_99 : i32
      %swap3A_101 = arith.constant 14 : i32
      %swap3A_102 = arith.index_cast %swap3A_101 : i32 to index
      %swap3A_103 = arith.index_cast %mul3A_100 : i32 to index
      %swap3A_104 = tpu.vector_load %arg5[%swap3A_102, %swap3A_103] {strides = array<i32>} : memref<16x1024xi32, #tpu.memory_space<vmem>>, vector<16xi32>,
      tpu.vector_store %arg5[%swap3A_102, %swap3A_103], %broadcast_in_dim3A_3 {strides = array<i32>} : memref<16x1024xi32, #tpu.memory_space<vmem>>, vector<16xi32>,
      %mul3A_105 = arith.constant 16 : i32
      %mul3A_106 = arith.muli %scan3A_15, %mul3A_105 : i32
      %swap3A_107 = arith.constant 15 : i32
      %swap3A_108 = arith.index_cast %swap3A_107 : i32 to index
      %swap3A_109 = arith.index_cast %mul3A_106 : i32 to index
      %swap3A_110 = tpu.vector_load %arg5[%swap3A_108, %swap3A_109] {strides = array<i32>} : memref<16x1024xi32, #tpu.memory_space<vmem>>, vector<16xi32>,
      tpu.vector_store %arg5[%swap3A_108, %swap3A_109], %broadcast_in_dim3A_3 {strides = array<i32>} : memref<16x1024xi32, #tpu.memory_space<vmem>>, vector<16xi32>,
    }
    %scan3A_8 = arith.constant 64 : i32
    %scan3A_9 = arith.constant 0 : i32
    %scan3A_10 = arith.constant 1026 : i32
    %scan3A_11 = arith.addi %scan3A_9, %scan3A_10 : i32
    %scan3A_12 = arith.constant 1 : i32
    %scan3A_13 = scf.for %scan3A_15 = %scan3A_9 to %scan3A_11 step %scan3A_12 iter_args(%scan3A_16 = %broadcast_in_dim3A_3) -> (vector<16xi32>)  : i32 {
      %gather3A = tpu.vector_load_idx %arg4[%iota3A, %scan3A_16] : memref<16x1024xi32, #tpu.memory_space<vmem>>[vector<16xi32>, vector<16xi32>], vector<16xi32>,
      %add3A_17 = arith.constant 1 : i32
      %add3A_18 = arith.addi %scan3A_15, %add3A_17 : i32
      %broadcast_in_dim3A_19 = vector.broadcast %add3A_18 : i32 to vector<16xi32>
      tpu.vector_store_idx %arg5[%iota3A, %gather3A], %broadcast_in_dim3A_19 : memref<16x1024xi32, #tpu.memory_space<vmem>>[vector<16xi32>, vector<16xi32>], vector<16xi32>,
      scf.yield %gather3A : vector<16xi32>
    }
    %scan3A_14 = arith.constant 1026 : i32
    "tpu.region"() ({
      %run_scoped3A = tpu.sem_alloc : memref<!tpu.dma_semaphore, #tpu.memory_space<semaphore_mem>>
      %dma_start3A = arith.constant 0 : i32
      %dma_start3A_15 = tpu.memref_slice %arg3[%mul3A_2, %dma_start3A] : memref<512x1024xi32, #tpu.memory_space<hbm>> -> memref<16x1024xi32, #tpu.memory_space<hbm>>
      %dma_start3A_16 = arith.constant 0 : i32
      %dma_start3A_17 = tpu.memref_slice %arg3[%mul3A_2, %dma_start3A_16] : memref<512x1024xi32, #tpu.memory_space<hbm>> -> memref<16x1024xi32, #tpu.memory_space<hbm>>
      tpu.enqueue_dma source(%arg5 : memref<16x1024xi32, #tpu.memory_space<vmem>>) target(%dma_start3A_17 : memref<16x1024xi32, #tpu.memory_space<hbm>>) target_semaphore(%run_scoped3A : memref<!tpu.dma_semaphore, #tpu.memory_space<semaphore_mem>>)
      %dma_wait3A = arith.constant 0 : i32
      %dma_wait3A_18 = tpu.memref_slice %arg3[%mul3A_2, %dma_wait3A] : memref<512x1024xi32, #tpu.memory_space<hbm>> -> memref<16x1024xi32, #tpu.memory_space<hbm>>
      %dma_wait3A_19 = arith.constant 0 : i32
      %dma_wait3A_20 = tpu.memref_slice %arg3[%mul3A_2, %dma_wait3A_19] : memref<512x1024xi32, #tpu.memory_space<hbm>> -> memref<16x1024xi32, #tpu.memory_space<hbm>>
      tpu.wait_dma2 semaphore(%run_scoped3A : memref<!tpu.dma_semaphore, #tpu.memory_space<semaphore_mem>>) src(%arg5 : memref<16x1024xi32, #tpu.memory_space<vmem>>) dst(%dma_wait3A_20 : memref<16x1024xi32, #tpu.memory_space<hbm>>)
      tpu.yield
    }) : () -> ()
    return
  }
}

module attributes {stable_mosaic.version = 14 : i64} {
  func.func @_dense_body(%arg0: i32, %arg1: i32, %arg2: memref<8x128xf32, #tpu.memory_space<vmem>>, %arg3: memref<8x128xf32, #tpu.memory_space<vmem>>, %arg4: memref<8x128xi32, #tpu.memory_space<vmem>>, %arg5: memref<8x128xf32, #tpu.memory_space<vmem>>, %arg6: memref<64x128xf32, #tpu.memory_space<vmem>>, %arg7: memref<8x128x128xf32, #tpu.memory_space<vmem>>, %arg8: memref<8x64x128xf32, #tpu.memory_space<vmem>>, %arg9: memref<8x64x128xf32, #tpu.memory_space<vmem>>) attributes {dimension_semantics = [#tpu.dimension_semantics<parallel>, #tpu.dimension_semantics<parallel>], iteration_bounds = array<i64: 8, 64>, scalar_prefetch = 0 : i64, scratch_operands = 0 : i64, tpu.core_type = #tpu.core_type<tc>, window_params = [{transform_indices = @transform_0, window_bounds = array<i64: 8, 128>}, {transform_indices = @transform_1, window_bounds = array<i64: 8, 128>}, {transform_indices = @transform_2, window_bounds = array<i64: 8, 128>}, {pipeline_mode = #tpu.pipeline_mode<synchronous>, transform_indices = @transform_3, window_bounds = array<i64: 8, 128>}, {transform_indices = @transform_4, window_bounds = array<i64: 64, 128>}, {transform_indices = @transform_5, window_bounds = array<i64: 8, 128, 128>}, {transform_indices = @transform_6, window_bounds = array<i64: 8, 64, 128>}, {transform_indices = @transform_7, window_bounds = array<i64: 8, 64, 128>}]} {
    %get3A = arith.constant 0 : index
    %get3A_0 = arith.constant 0 : index
    %get3A_1 = vector.load %arg2[%get3A, %get3A_0] : memref<8x128xf32, #tpu.memory_space<vmem>>, vector<8x128xf32>
    %get3A_2 = arith.constant 0 : index
    %get3A_3 = arith.constant 0 : index
    %get3A_4 = vector.load %arg3[%get3A_2, %get3A_3] : memref<8x128xf32, #tpu.memory_space<vmem>>, vector<8x128xf32>
    %get3A_5 = arith.constant 0 : index
    %get3A_6 = arith.constant 0 : index
    %get3A_7 = vector.load %arg5[%get3A_5, %get3A_6] : memref<8x128xf32, #tpu.memory_space<vmem>>, vector<1x128xf32>
    %get3A_8 = vector.shape_cast %get3A_7 : vector<1x128xf32> to vector<128xf32>
    %get3A_9 = arith.constant 1 : index
    %get3A_10 = arith.constant 0 : index
    %get3A_11 = vector.load %arg5[%get3A_9, %get3A_10] : memref<8x128xf32, #tpu.memory_space<vmem>>, vector<1x128xf32>
    %get3A_12 = vector.shape_cast %get3A_11 : vector<1x128xf32> to vector<128xf32>
    %broadcast_in_dim3A = vector.shape_cast %get3A_1 : vector<8x128xf32> to vector<8x128x1xf32>
    %broadcast_in_dim3A_13 = vector.shape_cast %get3A_8 : vector<128xf32> to vector<1x1x128xf32>
    %mul3A = vector.broadcast %broadcast_in_dim3A : vector<8x128x1xf32> to vector<8x128x128xf32>
    %mul3A_14 = vector.broadcast %broadcast_in_dim3A_13 : vector<1x1x128xf32> to vector<8x128x128xf32>
    %mul3A_15 = arith.mulf %mul3A, %mul3A_14 : vector<8x128x128xf32>
    %broadcast_in_dim3A_16 = vector.shape_cast %get3A_4 : vector<8x128xf32> to vector<8x128x1xf32>
    %broadcast_in_dim3A_17 = vector.shape_cast %get3A_12 : vector<128xf32> to vector<1x1x128xf32>
    %mul3A_18 = vector.broadcast %broadcast_in_dim3A_16 : vector<8x128x1xf32> to vector<8x128x128xf32>
    %mul3A_19 = vector.broadcast %broadcast_in_dim3A_17 : vector<1x1x128xf32> to vector<8x128x128xf32>
    %mul3A_20 = arith.mulf %mul3A_18, %mul3A_19 : vector<8x128x128xf32>
    %add3A = arith.addf %mul3A_15, %mul3A_20 : vector<8x128x128xf32>
    %swap3A = arith.constant 0 : index
    %swap3A_21 = arith.constant 0 : index
    %swap3A_22 = arith.constant 0 : index
    %swap3A_23 = vector.load %arg7[%swap3A, %swap3A_21, %swap3A_22] : memref<8x128x128xf32, #tpu.memory_space<vmem>>, vector<8x128x128xf32>
    tpu.vector_store %arg7[%swap3A, %swap3A_21, %swap3A_22], %add3A {strides = array<i32>} : memref<8x128x128xf32, #tpu.memory_space<vmem>>, vector<8x128x128xf32>,
    %get3A_24 = arith.constant 2 : index
    %get3A_25 = arith.constant 0 : index
    %get3A_26 = vector.load %arg5[%get3A_24, %get3A_25] : memref<8x128xf32, #tpu.memory_space<vmem>>, vector<1x1xf32>
    %get3A_27 = vector.extract %get3A_26[0, 0] : f32 from vector<1x1xf32>
    %get3A_28 = arith.constant 0 : index
    %get3A_29 = arith.constant 0 : index
    %get3A_30 = vector.load %arg4[%get3A_28, %get3A_29] : memref<8x128xi32, #tpu.memory_space<vmem>>, vector<8x128xi32>
    %convert_element_type3A = arith.sitofp %get3A_30 : vector<8x128xi32> to vector<8x128xf32>
    %rem3A = vector.broadcast %get3A_27 : f32 to vector<8x128xf32>
    %rem3A_31 = arith.remf %convert_element_type3A, %rem3A : vector<8x128xf32>
    %ne3A = arith.constant 0.000000e+00 : f32
    %ne3A_32 = vector.broadcast %ne3A : f32 to vector<8x128xf32>
    %ne3A_33 = arith.cmpf one, %rem3A_31, %ne3A_32 : vector<8x128xf32>
    %lt3A = arith.constant 0.000000e+00 : f32
    %lt3A_34 = vector.broadcast %lt3A : f32 to vector<8x128xf32>
    %lt3A_35 = arith.cmpf olt, %rem3A_31, %lt3A_34 : vector<8x128xf32>
    %lt3A_36 = arith.constant 0.000000e+00 : f32
    %lt3A_37 = arith.cmpf olt, %get3A_27, %lt3A_36 : f32
    %ne3A_38 = vector.broadcast %lt3A_37 : i1 to vector<8x128xi1>
    %ne3A_39 = vector.broadcast %ne3A_38 : vector<8x128xi1> to vector<8x128xi1>
    %ne3A_40 = arith.xori %lt3A_35, %ne3A_39 : vector<8x128xi1>
    %and3A = arith.andi %ne3A_40, %ne3A_33 : vector<8x128xi1>
    %add3A_41 = vector.broadcast %get3A_27 : f32 to vector<8x128xf32>
    %add3A_42 = arith.addf %rem3A_31, %add3A_41 : vector<8x128xf32>
    %select_n3A = arith.select %and3A, %add3A_42, %rem3A_31 : vector<8x128xi1>, vector<8x128xf32>
    %get3A_43 = arith.constant 0 : index
    %get3A_44 = arith.constant 0 : index
    %get3A_45 = vector.load %arg6[%get3A_43, %get3A_44] : memref<64x128xf32, #tpu.memory_space<vmem>>, vector<64x128xf32>
    %broadcast_in_dim3A_46 = vector.shape_cast %get3A_45 : vector<64x128xf32> to vector<1x64x128xf32>
    %broadcast_in_dim3A_47 = vector.shape_cast %select_n3A : vector<8x128xf32> to vector<8x1x128xf32>
    %broadcast_in_dim3A_48 = vector.shape_cast %broadcast_in_dim3A_47 : vector<8x1x128xf32> to vector<8x1x128xf32>
    %broadcast_in_dim3A_49 = vector.broadcast %broadcast_in_dim3A_48 : vector<8x1x128xf32> to vector<8x64x128xf32>
    %mul3A_50 = vector.broadcast %broadcast_in_dim3A_46 : vector<1x64x128xf32> to vector<8x64x128xf32>
    %mul3A_51 = arith.mulf %broadcast_in_dim3A_49, %mul3A_50 : vector<8x64x128xf32>
    %mul3A_52 = arith.constant 0.636619746 : f32
    %mul3A_53 = vector.broadcast %mul3A_52 : f32 to vector<8x64x128xf32>
    %mul3A_54 = arith.mulf %mul3A_51, %mul3A_53 : vector<8x64x128xf32>
    %add3A_55 = arith.constant 5.000000e-01 : f32
    %add3A_56 = vector.broadcast %add3A_55 : f32 to vector<8x64x128xf32>
    %add3A_57 = arith.addf %mul3A_54, %add3A_56 : vector<8x64x128xf32>
    %floor3A = math.floor %add3A_57 : vector<8x64x128xf32>
    %mul3A_58 = arith.constant 1.57078552 : f32
    %mul3A_59 = vector.broadcast %mul3A_58 : f32 to vector<8x64x128xf32>
    %mul3A_60 = arith.mulf %floor3A, %mul3A_59 : vector<8x64x128xf32>
    %sub3A = arith.subf %mul3A_51, %mul3A_60 : vector<8x64x128xf32>
    %mul3A_61 = arith.constant 1.08043341E-5 : f32
    %mul3A_62 = vector.broadcast %mul3A_61 : f32 to vector<8x64x128xf32>
    %mul3A_63 = arith.mulf %floor3A, %mul3A_62 : vector<8x64x128xf32>
    %sub3A_64 = arith.subf %sub3A, %mul3A_63 : vector<8x64x128xf32>
    %mul3A_65 = arith.mulf %sub3A_64, %sub3A_64 : vector<8x64x128xf32>
    %mul3A_66 = arith.mulf %sub3A_64, %mul3A_65 : vector<8x64x128xf32>
    %mul3A_67 = arith.constant -1.95152956E-4 : f32
    %mul3A_68 = vector.broadcast %mul3A_67 : f32 to vector<8x64x128xf32>
    %mul3A_69 = arith.mulf %mul3A_65, %mul3A_68 : vector<8x64x128xf32>
    %add3A_70 = arith.constant 0.00833216123 : f32
    %add3A_71 = vector.broadcast %add3A_70 : f32 to vector<8x64x128xf32>
    %add3A_72 = arith.addf %add3A_71, %mul3A_69 : vector<8x64x128xf32>
    %mul3A_73 = arith.mulf %mul3A_65, %add3A_72 : vector<8x64x128xf32>
    %add3A_74 = arith.constant -0.166666552 : f32
    %add3A_75 = vector.broadcast %add3A_74 : f32 to vector<8x64x128xf32>
    %add3A_76 = arith.addf %add3A_75, %mul3A_73 : vector<8x64x128xf32>
    %mul3A_77 = arith.mulf %mul3A_66, %add3A_76 : vector<8x64x128xf32>
    %add3A_78 = arith.addf %sub3A_64, %mul3A_77 : vector<8x64x128xf32>
    %mul3A_79 = arith.constant 2.44331568E-5 : f32
    %mul3A_80 = vector.broadcast %mul3A_79 : f32 to vector<8x64x128xf32>
    %mul3A_81 = arith.mulf %mul3A_65, %mul3A_80 : vector<8x64x128xf32>
    %add3A_82 = arith.constant -0.00138873165 : f32
    %add3A_83 = vector.broadcast %add3A_82 : f32 to vector<8x64x128xf32>
    %add3A_84 = arith.addf %add3A_83, %mul3A_81 : vector<8x64x128xf32>
    %mul3A_85 = arith.mulf %mul3A_65, %add3A_84 : vector<8x64x128xf32>
    %add3A_86 = arith.constant 0.0416666456 : f32
    %add3A_87 = vector.broadcast %add3A_86 : f32 to vector<8x64x128xf32>
    %add3A_88 = arith.addf %add3A_87, %mul3A_85 : vector<8x64x128xf32>
    %mul3A_89 = arith.mulf %mul3A_65, %add3A_88 : vector<8x64x128xf32>
    %add3A_90 = arith.constant -5.000000e-01 : f32
    %add3A_91 = vector.broadcast %add3A_90 : f32 to vector<8x64x128xf32>
    %add3A_92 = arith.addf %add3A_91, %mul3A_89 : vector<8x64x128xf32>
    %mul3A_93 = arith.mulf %mul3A_65, %add3A_92 : vector<8x64x128xf32>
    %add3A_94 = arith.constant 1.000000e+00 : f32
    %add3A_95 = vector.broadcast %add3A_94 : f32 to vector<8x64x128xf32>
    %add3A_96 = arith.addf %add3A_95, %mul3A_93 : vector<8x64x128xf32>
    %convert_element_type3A_97 = arith.fptosi %floor3A : vector<8x64x128xf32> to vector<8x64x128xi32>
    %and3A_98 = arith.constant 3 : i32
    %and3A_99 = vector.broadcast %and3A_98 : i32 to vector<8x64x128xi32>
    %and3A_100 = arith.andi %convert_element_type3A_97, %and3A_99 : vector<8x64x128xi32>
    %eq3A = arith.constant 1 : i32
    %eq3A_101 = vector.broadcast %eq3A : i32 to vector<8x64x128xi32>
    %eq3A_102 = arith.cmpi eq, %and3A_100, %eq3A_101 : vector<8x64x128xi32>
    %eq3A_103 = arith.constant 2 : i32
    %eq3A_104 = vector.broadcast %eq3A_103 : i32 to vector<8x64x128xi32>
    %eq3A_105 = arith.cmpi eq, %and3A_100, %eq3A_104 : vector<8x64x128xi32>
    %eq3A_106 = arith.constant 3 : i32
    %eq3A_107 = vector.broadcast %eq3A_106 : i32 to vector<8x64x128xi32>
    %eq3A_108 = arith.cmpi eq, %and3A_100, %eq3A_107 : vector<8x64x128xi32>
    %neg3A = arith.constant 0.000000e+00 : f32
    %neg3A_109 = vector.broadcast %neg3A : f32 to vector<8x64x128xf32>
    %neg3A_110 = arith.subf %neg3A_109, %add3A_78 : vector<8x64x128xf32>
    %neg3A_111 = arith.constant 0.000000e+00 : f32
    %neg3A_112 = vector.broadcast %neg3A_111 : f32 to vector<8x64x128xf32>
    %neg3A_113 = arith.subf %neg3A_112, %add3A_96 : vector<8x64x128xf32>
    %select_n3A_114 = arith.select %eq3A_108, %add3A_78, %add3A_96 : vector<8x64x128xi1>, vector<8x64x128xf32>
    %select_n3A_115 = arith.select %eq3A_105, %neg3A_113, %select_n3A_114 : vector<8x64x128xi1>, vector<8x64x128xf32>
    %select_n3A_116 = arith.select %eq3A_102, %neg3A_110, %select_n3A_115 : vector<8x64x128xi1>, vector<8x64x128xf32>
    %neg3A_117 = arith.constant 0.000000e+00 : f32
    %neg3A_118 = vector.broadcast %neg3A_117 : f32 to vector<8x64x128xf32>
    %neg3A_119 = arith.subf %neg3A_118, %add3A_78 : vector<8x64x128xf32>
    %neg3A_120 = arith.constant 0.000000e+00 : f32
    %neg3A_121 = vector.broadcast %neg3A_120 : f32 to vector<8x64x128xf32>
    %neg3A_122 = arith.subf %neg3A_121, %add3A_96 : vector<8x64x128xf32>
    %select_n3A_123 = arith.select %eq3A_108, %neg3A_122, %add3A_78 : vector<8x64x128xi1>, vector<8x64x128xf32>
    %select_n3A_124 = arith.select %eq3A_105, %neg3A_119, %select_n3A_123 : vector<8x64x128xi1>, vector<8x64x128xf32>
    %select_n3A_125 = arith.select %eq3A_102, %add3A_96, %select_n3A_124 : vector<8x64x128xi1>, vector<8x64x128xf32>
    %swap3A_126 = arith.constant 0 : index
    %swap3A_127 = arith.constant 0 : index
    %swap3A_128 = arith.constant 0 : index
    %swap3A_129 = vector.load %arg8[%swap3A_126, %swap3A_127, %swap3A_128] : memref<8x64x128xf32, #tpu.memory_space<vmem>>, vector<8x64x128xf32>
    tpu.vector_store %arg8[%swap3A_126, %swap3A_127, %swap3A_128], %select_n3A_116 {strides = array<i32>} : memref<8x64x128xf32, #tpu.memory_space<vmem>>, vector<8x64x128xf32>,
    %swap3A_130 = arith.constant 0 : index
    %swap3A_131 = arith.constant 0 : index
    %swap3A_132 = arith.constant 0 : index
    %swap3A_133 = vector.load %arg9[%swap3A_130, %swap3A_131, %swap3A_132] : memref<8x64x128xf32, #tpu.memory_space<vmem>>, vector<8x64x128xf32>
    tpu.vector_store %arg9[%swap3A_130, %swap3A_131, %swap3A_132], %select_n3A_125 {strides = array<i32>} : memref<8x64x128xf32, #tpu.memory_space<vmem>>, vector<8x64x128xf32>,
    return
  }
  func.func @transform_0(%arg0: i32, %arg1: i32) -> (i32, i32) {
    %c0_i32 = arith.constant 0 : i32
    return %arg1, %arg0 : i32, i32
  }
  func.func @transform_1(%arg0: i32, %arg1: i32) -> (i32, i32) {
    %c0_i32 = arith.constant 0 : i32
    return %arg1, %arg0 : i32, i32
  }
  func.func @transform_2(%arg0: i32, %arg1: i32) -> (i32, i32) {
    %c0_i32 = arith.constant 0 : i32
    return %arg1, %arg0 : i32, i32
  }
  func.func @transform_3(%arg0: i32, %arg1: i32) -> (i32, i32) {
    %c0_i32 = arith.constant 0 : i32
    %c0_i32_0 = arith.constant 0 : i32
    %c0_i32_1 = arith.constant 0 : i32
    return %c0_i32, %c0_i32_0 : i32, i32
  }
  func.func @transform_4(%arg0: i32, %arg1: i32) -> (i32, i32) {
    %c0_i32 = arith.constant 0 : i32
    %c0_i32_0 = arith.constant 0 : i32
    return %c0_i32, %arg0 : i32, i32
  }
  func.func @transform_5(%arg0: i32, %arg1: i32) -> (i32, i32, i32) {
    %c0_i32 = arith.constant 0 : i32
    %c0_i32_0 = arith.constant 0 : i32
    return %arg1, %arg0, %c0_i32 : i32, i32, i32
  }
  func.func @transform_6(%arg0: i32, %arg1: i32) -> (i32, i32, i32) {
    %c0_i32 = arith.constant 0 : i32
    %c0_i32_0 = arith.constant 0 : i32
    return %arg1, %c0_i32, %arg0 : i32, i32, i32
  }
  func.func @transform_7(%arg0: i32, %arg1: i32) -> (i32, i32, i32) {
    %c0_i32 = arith.constant 0 : i32
    %c0_i32_0 = arith.constant 0 : i32
    return %arg1, %c0_i32, %arg0 : i32, i32, i32
  }
}

</mosaic_0001>

<sc_bundles>
// kernel: kernel.4.cloned.1.call-start
scs
__scs_entry_jumppad:
0x0: {  	(pc) =	sbr.rel $0x88, $3  }
0x1: {  	(tag) =	ssettag $0x0;
	lr =	simm.s32 $0x1  }
0x2: {  	[smem:$0x3F9D] =	sst lr;
	_ =	strace $0xD0000000  }
0x3: {  	_ = 	snop  }
0x4: {  	_ = 	snop  }
0x5: {  	_ = 	snop  }
0x6: {  	_ = 	snop  }
0x7: {  	_ = 	snop  }
__scs_overlays_trampoline_lowered:
0x8: {  	[smem:$0x3FAC] =	sst s0  }
0x9: {  	[smem:$0x3FAD] =	sst s1  }
0xa: {  	[smem:$0x3FAE] =	sst s2  }
0xb: {  	[smem:$0x3FAF] =	sst s3  }
0xc: {  	[smem:$0x3FB0] =	sst s4  }
0xd: {  	[smem:$0x3FB1] =	sst s5  }
0xe: {  	[smem:$0x3FB2] =	sst s6  }
0xf: {  	[smem:$0x3FB3] =	sst s7  }
0x10: {  	[smem:$0x3FB4] =	sst s8  }
0x11: {  	[smem:$0x3FB5] =	sst s9;
	s0 =	simm.s32 @!p0 $0x0  }
0x12: {  	s1 =	sld [smem:$0x3F9B];
	s0 =	simm.s32 @p0 $0x1  }
0x13: {  	[smem:$0x3FB6] =	sst s0;
	s0 =	simm.s32 @!p1 $0x0  }
0x14: {  	s2 =	sld [smem:$0x3F9A];
	s0 =	simm.s32 @p1 $0x1  }
0x15: {  	[smem:$0x3FB7] =	sst s0;
	s0 =	simm.s32 @!p2 $0x0  }
0x16: {  	s3 =	sld [smem:$0x3FDB];
	s0 =	simm.s32 @p2 $0x1  }
0x17: {  	s4 =	simm.s32 $0x1BF5;
	[smem:$0x3FB9] =	sst s0  }
0x18: {  	s0 =	sld [smem:$0x3F9C];
	_ =	swait.ge [sflag:s4], $0x0  }
0x19: {  	s7 =	sld [smem:$0x3F9D]  }
0x1a: {  	s8 =	sadd.s32 $0xFFFFE003, lr  }
0x1b: {  	s9 =	sadd.s32 $0xFFFFFEF7, lr;
	s5 =	simm.s32 $0xFFFFFFFF;
	p2 =	slt.u32 s8, $0xFFFFF086  }
0x1c: {  	p1 =	slt.u32 s9, $0xF7A;
	s5 =	simm.s32 @!p2 $0x0  }
0x1d: {  	s5 =	simm.s32 @p1 $0x1;
	p0 =	seq.s32 s7, s2  }
0x1e: {  	s7 =	smul.u32 @!p0 $0xF7A, s2;
	p2 =	seq.s32 @!p0 s5, $0x0  }
0x1f: {  	s9 =	smul.u32 $0xF7A, s1;
	s8 =	simm.s32 @!p0 $0x1BF5;
	p2 =	por !p2, p0  }
0x20: {  	[sflag:s8] =	ssyncset.s32 @!p0 $0xFFFFF086;
	s6 =	sadd.s32 @!p0 s3, s7;
	s7 =	simm.s32 @!p0 $0x108  }
0x21: {  	s3 =	sadd.s32 s3, s9;
	s6 =	sadd.s32 @!p0 $0x88, s6;
	s7 =	simm.s32 @p2 $0x1082  }
0x22: {  	[simem:s7], [sflag:s8] =	dma.local @!p0 [hbm:s6], $0xF7A  }
0x23: {  	s9 =	sor.u32 $0xD0000000, s2;
	s6 =	simm.s32 $0x108;
	_ =	swait.ge @!p0 [sflag:s8], $0x0  }
0x24: {  	s3 =	sadd.s32 $0x88, s3;
	s6 =	simm.s32 @!p1 $0x1082;
	[sflag:s4] =	ssyncset.s32 $0xFFFFF086  }
0x25: {  	[simem:s6], [sflag:s4] =	dma.local [hbm:s3], $0xF7A  }
0x26: {  	[smem:$0x3F9D] =	sst s1;
	(tag) =	ssettag s2;
	_ =	strace s9  }
0x27: {  	s1 =	sld [smem:$0x3FAD]  }
0x28: {  	s2 =	sld [smem:$0x3FAE]  }
0x29: {  	s4 =	sld [smem:$0x3FB0]  }
0x2a: {  	p0 =	seq.s32 s5, $0x0;
	s5 =	sld [smem:$0x3FB1]  }
0x2b: {  	s6 =	sld [smem:$0x3FB2]  }
0x2c: {  	s7 =	sld [smem:$0x3FB3]  }
0x2d: {  	s3 =	simm.s32 $0x108;
	s8 =	sld [smem:$0x3FB4]  }
0x2e: {  	s3 =	simm.s32 @!p0 $0x1082;
	s9 =	sld [smem:$0x3FB5]  }
0x2f: {  	lr =	sadd.s32 s0, s3;
	s0 =	sld [smem:$0x3FAC]  }
0x30: {  	s3 =	sld [smem:$0x3FAF]  }
0x31: {  	[smem:$0x3FB8] =	sst s10  }
0x32: {  	s10 =	sld [smem:$0x3FB6];
	_ =	sdelay $0x3  }
0x33: {  	p0 =	seq.s32 s10, $0x1;
	s10 =	sld [smem:$0x3FB8];
	_ =	sdelay $0x3  }
0x34: {  	[smem:$0x3FB8] =	sst s10  }
0x35: {  	s10 =	sld [smem:$0x3FB7];
	_ =	sdelay $0x3  }
0x36: {  	p1 =	seq.s32 s10, $0x1;
	s10 =	sld [smem:$0x3FB8];
	_ =	sdelay $0x3  }
0x37: {  	[smem:$0x3FB8] =	sst s10  }
0x38: {  	s10 =	sld [smem:$0x3FB9]  }
0x39: {  	_ = 	snop;
	(pc) =	sbr.ind lr, $3  }
0x3a: {  	_ = 	snop  }
0x3b: {  	_ = 	snop  }
0x3c: {  	p2 =	seq.s32 s10, $0x1;
	s10 =	sld [smem:$0x3FB8]  }
0x3d: {  	_ =	shalt  }
0x3e: {  	_ =	shalt  }
0x3f: {  	_ =	shalt  }
0x40: {  	_ =	shalt  }
0x41: {  	_ =	shalt  }
0x42: {  	_ =	shalt  }
0x43: {  	_ =	shalt  }
0x44: {  	_ =	shalt  }
0x45: {  	_ =	shalt  }
0x46: {  	_ =	shalt  }
0x47: {  	_ =	shalt  }
0x48: {  	_ =	shalt  }
0x49: {  	_ =	shalt  }
0x4a: {  	_ =	shalt  }
0x4b: {  	_ =	shalt  }
0x4c: {  	_ =	shalt  }
0x4d: {  	_ =	shalt  }
0x4e: {  	_ =	shalt  }
0x4f: {  	_ =	shalt  }
0x50: {  	_ =	shalt  }
0x51: {  	_ =	shalt  }
0x52: {  	_ =	shalt  }
0x53: {  	_ =	shalt  }
0x54: {  	_ =	shalt  }
0x55: {  	_ =	shalt  }
0x56: {  	_ =	shalt  }
0x57: {  	_ =	shalt  }
0x58: {  	_ =	shalt  }
0x59: {  	_ =	shalt  }
0x5a: {  	_ =	shalt  }
0x5b: {  	_ =	shalt  }
0x5c: {  	_ =	shalt  }
0x5d: {  	_ =	shalt  }
0x5e: {  	_ =	shalt  }
0x5f: {  	_ =	shalt  }
0x60: {  	_ =	shalt  }
0x61: {  	_ =	shalt  }
0x62: {  	_ =	shalt  }
0x63: {  	_ =	shalt  }
0x64: {  	_ =	shalt  }
0x65: {  	_ =	shalt  }
0x66: {  	_ =	shalt  }
0x67: {  	_ =	shalt  }
0x68: {  	_ =	shalt  }
0x69: {  	_ =	shalt  }
0x6a: {  	_ =	shalt  }
0x6b: {  	_ =	shalt  }
0x6c: {  	_ =	shalt  }
0x6d: {  	_ =	shalt  }
0x6e: {  	_ =	shalt  }
0x6f: {  	_ =	shalt  }
0x70: {  	_ =	shalt  }
0x71: {  	_ =	shalt  }
0x72: {  	_ =	shalt  }
0x73: {  	_ =	shalt  }
0x74: {  	_ =	shalt  }
0x75: {  	_ =	shalt  }
0x76: {  	_ =	shalt  }
0x77: {  	_ =	shalt  }
0x78: {  	_ =	shalt  }
0x79: {  	_ =	shalt  }
0x7a: {  	_ =	shalt  }
0x7b: {  	_ =	shalt  }
0x7c: {  	_ =	shalt  }
0x7d: {  	_ =	shalt  }
0x7e: {  	_ =	shalt  }
0x7f: {  	_ =	shalt  }
0x80: {  	_ =	shalt  }
0x81: {  	_ =	shalt  }
0x82: {  	_ =	shalt  }
0x83: {  	_ =	shalt  }
0x84: {  	_ =	shalt  }
0x85: {  	_ =	shalt  }
0x86: {  	_ =	shalt  }
0x87: {  	_ =	shalt  }
.Lfunc_end0:
.L_simem_size_0:
called_computation_lowered:
.L_overlay_start_0:
0x88: {  	s2 =	sld [smem:$0x3FD9]  }
0x89: {  	s3 =	sld [smem:$0x3FFE];
	_ =	sdelay $0x1  }
0x8a: {  	s1 =	srdreg.scid  }
0x8b: {  	s0 =	sand.u32 $0x1, s1  }
0x8c: {  	s15 =	sshll.u32 s0, $0xA;
	s2 =	sadd.s32 s3, s2  }
0x8d: {  	s2 =	sadd.s32 s2, s15  }
0x8e: {  	[smem:$0x3FC4] =	sst s2  }
0x8f: {  	_ = 	snop  }
0x90: {  	s2 =	sld [smem:$0x3FD0];
	_ =	sdelay $0x2  }
0x91: {  	s16 =	simm.s32 $0xA;
	s4 =	simm.s32 $0x10  }
0x92: {  	[smem:s4], [sflag:s16] =	dma.local [hbm:s2], $0x1  }
0x93: {  	_ =	swait.eq [sflag:s16], $0x1  }
0x94: {  	[sflag:s16] =	ssyncset.done $0x0  }
0x95: {  	s17 =	sld [smem:$0x11];
	[sflag:s16] =	ssyncadd.s32 $0xFFFFFFFF  }
0x96: {  	s18 =	sld [smem:$0x12];
	(tm) =	ssettm $0x1  }
0x97: {  	s19 =	sld [smem:$0x3FFB];
	_ =	sdelay $0x3  }
0x98: {  	_ =	strace s19  }
0x99: {  	s4 =	sld [smem:$0x3FFC];
	_ =	sdelay $0x3  }
0x9a: {  	_ =	strace s4  }
0x9b: {  	s4 =	sld [smem:$0x3FFD];
	_ =	sdelay $0x3  }
0x9c: {  	_ =	strace s4  }
0x9d: {  	_ =	strace $0x8FFFFFFF  }
0x9e: {  	s20 =	sld [smem:$0x3FDB];
	_ =	sdelay $0x1  }
0x9f: {  	s5 =	simm.s32 $_scs_section_size  }
0xa0: {  	s6 =	simm.s32 $_size__tile_overlayer_lowered;
	s7 =	simm.s32 $_tile_overlayer_lowered  }
0xa1: {  	s23 =	simm.s32 $0x1BFF;
	s22 =	sshll.u32 s7, $0x1;
	s4 =	sadd.s32 s5, s20  }
0xa2: {  	s8 =	simm.s32 $0x0;
	s21 =	sshll.u32 s6, $0x1;
	s6 =	sadd.s32 s22, s4  }
0xa3: {  	[timem:s8], [sflag:s23] =	dma.local [hbm:s6], s21  }
0xa4: {  	_ =	swait.ge [sflag:s23], s21  }
0xa5: {  	s5 =	ssub.s32 $0x0, s21;
	[sflag:s23] =	ssyncset.done $0x0  }
0xa6: {  	[sflag:s23] =	ssyncadd.s32 s5;
	_ =	sdelay $0x1  }
0xa7: {  	s24 =	simm.s32 $0x1B8B  }
0xa8: {  	_ =	swait.ge [sflag:s24], $0x1  }
0xa9: {  	[sflag:s24] =	ssyncset.done $0x0  }
0xaa: {  	s25 =	simm.s32 $0x1B8E;
	[sflag:s24] =	ssyncadd.s32 $0xFFFFFFFF  }
0xab: {  	s26 =	simm.s32 $execute0_lowered;
	[smem:$0x3FD2] =	sst s25  }
0xac: {  	s5 =	sshll.u32 s26, $0x1;
	_ =	strace $0x80000046;
	[dreg:$0x1] =	wrdreg $0xFFFFFFFF  }
0xad: {  	s28 =	simm.s32 $_size_execute0_lowered;
	s4 =	sadd.s32 s4, s5;
	[dreg:$0x0] =	wrdreg $0x0  }
0xae: {  	s5 =	sshll.u32 s28, $0x1;
	[dreg:$0x2] =	wrdreg s4  }
0xaf: {  	[dreg:$0x3] =	wrdreg s5  }
0xb0: {  	[dreg:$0x4] =	wrdreg $0xC0  }
0xb1: {  	_ =	task [dreg:s8], $0x5FFFF  }
0xb2: {  	[dreg:$0x1] =	wrdreg $0xFFFFFFFF  }
0xb3: {  	[dreg:$0x0] =	wrdreg $0x60  }
0xb4: {  	[dreg:$0x2] =	wrdreg s18  }
0xb5: {  	[dreg:$0x3] =	wrdreg s17  }
0xb6: {  	[dreg:$0x4] =	wrdreg $0x9  }
0xb7: {  	_ =	task.clear_ibuf [dreg:s8], $0x5FFFF;
	_ =	strace $0x90000046  }
0xb8: {  	s29 =	simm.s32 $0x9;
	_ =	strace $0x80000048  }
0xb9: {  	_ =	swait.ge [sflag:s29], $0x1  }
0xba: {  	[sflag:s29] =	ssyncadd.s32 $0xFFFFFFFF  }
0xbb: {  	_ =	strace $0x90000048  }
0xbc: {  	_ =	sfence  }
0xbd: {  	s30 =	sld [smem:$0x0];
	_ =	sdelay $0x2  }
0xbe: {  	s31 =	sshll.u32 s1, $0xD;
	s1 =	sshrl.u32 s1, $0x2  }
0xbf: {  	s3 =	sand.u32 $0x4000, s31;
	s1 =	sadd.s32 s1, s30  }
0xc0: {  	s0 =	sor.u32 s3, s0;
	s1 =	sshll.u32 s1, $0x11  }
0xc1: {  	s0 =	sor.u32 s1, s0  }
0xc2: {  	s0 =	sadd.s32 $0x8F2B, s0  }
0xc3: {  	[sflag:s0] =	ssyncadd.remote.s32 $0x1  }
0xc4: {  	_ =	sfence.sel $0xFFFF  }
0xc5: {  	[dreg:$0x0] =	wrdreg $0xFFFFFFFF;
	(pc) =	sbr.abs _section_cstart, $3  }
0xc6: {  	[dreg:$0x1] =	wrdreg $0xFFFFFFFF  }
0xc7: {  	_ =	task.clear_ibuf [dreg:s8], $0x2FFFF;
	_ =	strace $0x9FFFFFFF  }
0xc8: {  	(tm) =	ssettm $0x7FFFFFFF  }
0xc9: {  	_ =	shalt  }
tec
execute0_lowered:
.L_overlay_start_1:
0x0: {  	(tag) =	ssettag $0x1  }
0x1: {  	s3 =	rddreg [dreg:$0x0]  }
0x2: {  	s4 =	rddreg [dreg:$0x1];
	s1 =	srdreg.scid  }
0x3: {  	s0 =	rddreg [dreg:$0x2];
	s2 =	simm.s32 $0x0;
	s5 =	sand.u32 $0x1, s1  }
0x4: {  	[smem:$0x7FF] =	sst s2;
	s1 =	stileid.u32;
	s6 =	ssub.s32 $0x2, s5  }
0x5: {  	s8 =	sshll.u32 s1, $0xC;
	s5 =	sshll.u32 s5, $0xB;
	_ =	strace $0x80000047  }
0x6: {  	s7 =	sshrl.u32 s6, $0x1;
	s5 =	sor.u32 s5, s8;
	s8 =	simm.s32 $0x0  }
0x7: {  	v0 =	vlaneseq.u32;
	s6 =	ssub.s32 s6, s7;
	s3 =	sadd.s32 s3, s5;
	s4 =	sadd.s32 s4, s5  }
0x8: {  	v0 =	vmul.u32 $0x400, v0;
	s7 =	simm.s32 $0x4000;
	s5 =	smax.u32 s6, $0x1;
	s6 =	simm.s32 $0x1  }
.LBB2_1:
0x9: {  	[tilespmem:s2], [sflag:$0x1] =	stream.linear.gather [hbm4b:s3+s2], $0x4000, $0x38;
	[tilespmem:$0x8000] =	vst v63  }
0xa: {  	_ =	swait.ge [sflag:s6], $0x4000  }
0xb: {  	[sflag:s6] =	ssyncset.done $0x0  }
0xc: {  	s9 =	simm.s32 $0xFFFFFC00;
	v1 =	vimm.s32 $0x0;
	s10 =	simm.s32 $0xFFFFF040;
	[sflag:s6] =	ssyncadd.s32 $0xFFFFC000  }
.LBB2_2:
0xd: {  	p0 =	sne.s32 s10, $0xFFFFFFC0;
	[tilespmem:s9+$0x8000] =	vst v1  }
0xe: {  	[tilespmem:s9+$0x4400] =	vst v1  }
0xf: {  	[tilespmem:s9+$0x4800] =	vst v1  }
0x10: {  	[tilespmem:s9+$0x4C00] =	vst v1  }
0x11: {  	[tilespmem:s9+$0x5000] =	vst v1  }
0x12: {  	[tilespmem:s9+$0x5400] =	vst v1  }
0x13: {  	[tilespmem:s9+$0x5800] =	vst v1  }
0x14: {  	[tilespmem:s9+$0x5C00] =	vst v1  }
0x15: {  	[tilespmem:s9+$0x6000] =	vst v1  }
0x16: {  	[tilespmem:s9+$0x6400] =	vst v1  }
0x17: {  	[tilespmem:s9+$0x6800] =	vst v1  }
.Ltmp0:
0x18: {  	[tilespmem:s9+$0x6C00] =	vst v1;
	(pc) =	sbr.rel @p0 .LBB2_2-.Ltmp0, $4  }
0x19: {  	[tilespmem:s9+$0x7000] =	vst v1  }
0x1a: {  	[tilespmem:s9+$0x7400] =	vst v1  }
0x1b: {  	[tilespmem:s9+$0x7800] =	vst v1  }
0x1c: {  	[tilespmem:s9+$0x7C00] =	vst v1;
	s9 =	sshra.s32 s10, $0x2;
	s10 =	sadd.s32 $0x40, s10  }
0x1d: {  	[tilespmem:s9+$0x8000] =	vst v1  }
0x1e: {  	[tilespmem:s9+$0x4400] =	vst v1  }
0x1f: {  	[tilespmem:s9+$0x4800] =	vst v1  }
0x20: {  	[tilespmem:s9+$0x4C00] =	vst v1  }
0x21: {  	[tilespmem:s9+$0x5000] =	vst v1  }
0x22: {  	[tilespmem:s9+$0x5400] =	vst v1  }
0x23: {  	[tilespmem:s9+$0x5800] =	vst v1  }
0x24: {  	[tilespmem:s9+$0x5C00] =	vst v1  }
0x25: {  	[tilespmem:s9+$0x6000] =	vst v1  }
0x26: {  	[tilespmem:s9+$0x6400] =	vst v1  }
0x27: {  	[tilespmem:s9+$0x6800] =	vst v1  }
0x28: {  	[tilespmem:s9+$0x6C00] =	vst v1;
	v2 =	vadd.s32 v0, v1  }
0x29: {  	[tilespmem:s9+$0x7000] =	vst v1  }
0x2a: {  	[tilespmem:s9+$0x7400] =	vst v1  }
0x2b: {  	[tilespmem:s9+$0x7800] =	vst v1  }
0x2c: {  	[tilespmem:s9+$0x7C00] =	vst v1  }
0x2d: {  	v2 =	vld.idx.msk [tilespmem:v2+s2+$0x0], $0xffff;
	_ =	sdelay $0x4  }
0x2e: {  	v1 =	vadd.s32 v0, v2  }
0x2f: {  	s10 =	simm.s32 $0x1;
	s9 =	simm.s32 $0x2;
	s11 =	simm.s32 $0x3;
	v2 =	vadd.s32 v0, v2  }
.LBB2_4:
0x30: {  	p0 =	sne.s32 s11, $0x402;
	_ =	sdelay $0x1  }
0x31: {  	v3 =	vmov s10;
	s10 =	smov.u32 s9;
	s9 =	smov.u32 s11  }
0x32: {  	[tilespmem:v1+s7+$0x0] =	vst.idx.msk $0xffff, v3  }
0x33: {  	v1 =	vld.idx.msk [tilespmem:v2+s2+$0x0], $0xffff;
	_ =	sdelay $0x2  }
.Ltmp1:
0x34: {  	(pc) =	sbr.rel @p0 .LBB2_4-.Ltmp1, $3  }
0x35: {  	_ =	sdelay $0x1  }
0x36: {  	v1 =	vadd.s32 v0, v1  }
0x37: {  	s11 =	sadd.s32 $0x1, s11;
	v2 =	vmov v1  }
0x38: {  	_ =	sdelay $0x2  }
0x39: {  	v2 =	vmov s10  }
0x3a: {  	[tilespmem:v1+s7+$0x0] =	vst.idx.msk $0xffff, v2  }
0x3b: {  	v1 =	vld.idx.msk [tilespmem:v1+s2+$0x0], $0xffff;
	_ =	sdelay $0x4  }
0x3c: {  	v1 =	vadd.s32 v0, v1;
	_ =	sdelay $0x2  }
0x3d: {  	s8 =	sadd.s32 $0x1, s8  }
0x3e: {  	v2 =	vmov s9;
	p0 =	sne.s32 s8, s5  }
.Ltmp2:
0x3f: {  	[tilespmem:v1+s7+$0x0] =	vst.idx.msk $0xffff, v2;
	(pc) =	sbr.rel @p0 .LBB2_1-.Ltmp2, $4  }
0x40: {  	[hbm4b:s4+s2] =	stream.linear.scatter [tilespmem:s7], [sflag:$0x1], $0x4000, $0x38;
	[tilespmem:$0x8000] =	vst v63  }
0x41: {  	_ =	swait.ge [sflag:s6], $0x4000  }
0x42: {  	[sflag:s6] =	ssyncset.done $0x0  }
0x43: {  	[sflag:s6] =	ssyncadd.s32 $0xFFFFC000  }
0x44: {  	_ =	sfence.sel $0x180000  }
0x45: {  	[bflag:$0x0] =	sbarrier.arrive $0xFFFF  }
0x46: {  	p0 =	sne.s32 s1, $0x0;
	_ =	strace $0x90000047  }
0x47: {  	s0 =	sadd.s32 @!p0 $0x100000, s0;
	[bflag:$0x2] =	sbarrier.arrive $0xFFFF  }
0x48: {  	[sflag:s0] =	ssyncadd.tile.s32 @!p0 $0x1;
	_ =	shalt  }
.Lfunc_end2:
_tile_overlayer_lowered:
.L_overlay_start_2:
0x49: {  	(tag) =	ssettag $0x2  }
0x4a: {  	s0 =	rddreg [dreg:$0x0];
	s2 =	stileid.u32  }
0x4b: {  	s1 =	rddreg [dreg:$0x1];
	p0 =	sne.s32 s2, $0x0  }
0x4c: {  	s3 =	rddreg [dreg:$0x2];
	[bflag:$0x3] =	sbarrier.arrive $0xFFFF;
	s2 =	simm.s32 @!p0 $0x1C01  }
0x4d: {  	[timem:s3], [sflag:s2] =	dma.local @!p0 [hbm:s0], s1  }
0x4e: {  	s0 =	simm.s32 @!p0 $0x1  }
0x4f: {  	_ =	swait.ge @!p0 [sflag:s0], s1  }
0x50: {  	s1 =	ssub.s32 @!p0 $0x0, s1;
	[sflag:s0] =	ssyncset.done @!p0 $0x0  }
0x51: {  	[sflag:s0] =	ssyncadd.s32 @!p0 s1  }
0x52: {  	[bflag:$0x3] =	sbarrier.arrive $0xFFFF  }
0x53: {  	_ =	shalt  }

</sc_bundles>
